<compile_context>
chip_gen: v7x
topology: tpu7x:2x2x1
jax: 0.10.2.dev20260603
libtpu: 0.0.44.dev20260713+nightly
codegen_flags: <defaults>
</compile_context>

<pallas_src>
import functools

import jax
import jax.numpy as jnp
from jax import lax
from jax.experimental import pallas as pl
from jax.experimental.pallas import tpu as pltpu
from jax.experimental.pallas import tpu_sc as plsc

_B, _D, _H, _K = 4096, 512, 512, 16
_LANES = 16


def _build_mt_sparsecore(idx2, w12):
    info = plsc.get_sparse_core_info()
    nw = info.num_cores * info.num_subcores
    th = _H // nw

    mesh = plsc.VectorSubcoreMesh(core_axis_name="c", subcore_axis_name="s")

    @functools.partial(
        pl.kernel,
        mesh=mesh,
        compiler_params=pltpu.CompilerParams(needs_layout_passes=False),
        out_type=jax.ShapeDtypeStruct((_H, _D), jnp.float32),
        scratch_types=[
            pltpu.VMEM((_K, 128), jnp.int32),
            pltpu.VMEM((_K, 128), jnp.float32),
            pltpu.VMEM((th, _D), jnp.float32),
        ],
    )
    def build(idx_hbm, w_hbm, m_hbm, idx_v, w_v, m_v):
        wid = lax.axis_index("s") * info.num_cores + lax.axis_index("c")
        base = wid * th
        colblk = pl.multiple_of((base // 128) * 128, 128)
        pltpu.sync_copy(idx_hbm.at[:, pl.ds(colblk, 128)], idx_v)
        pltpu.sync_copy(w_hbm.at[:, pl.ds(colblk, 128)], w_v)

        zero = jnp.zeros((_LANES,), jnp.float32)

        def zero_chunk(i, c):
            for j in range(th):
                m_v[j, pl.ds(i * _LANES, _LANES)] = zero
            return c

        lax.fori_loop(0, _D // _LANES, zero_chunk, 0)

        lane = lax.broadcasted_iota(jnp.int32, (_LANES,), 0)
        cols = lane + (base - colblk)

        def scatter_k(k, c):
            kvec = lane * 0 + k
            taps = plsc.load_gather(idx_v, [kvec, cols])
            wk = plsc.load_gather(w_v, [kvec, cols])
            plsc.addupdate_scatter(m_v, [lane, taps], wk)
            return c

        lax.fori_loop(0, _K, scatter_k, 0)

        pltpu.sync_copy(m_v, m_hbm.at[pl.ds(base, th), :])

    return build(idx2, w12)


def _forward_body(x_ref, mt_ref, b1_ref, w2_ref, b2_ref, ha_ref, out_ref):
    dims = (((1,), (1,)), ((), ()))
    xf = x_ref[...]
    mf = mt_ref[...]
    xh = xf.astype(jnp.bfloat16)
    mh = mf.astype(jnp.bfloat16)
    xl = (xf - xh.astype(jnp.float32)).astype(jnp.bfloat16)
    ml = (mf - mh.astype(jnp.float32)).astype(jnp.bfloat16)
    h = lax.dot_general(
        xh, mh, dimension_numbers=dims, preferred_element_type=jnp.float32
    )
    h += lax.dot_general(
        xh, ml, dimension_numbers=dims, preferred_element_type=jnp.float32
    )
    h += lax.dot_general(
        xl, mh, dimension_numbers=dims, preferred_element_type=jnp.float32
    )
    ha = jnp.tanh(h + b1_ref[...])
    ha_ref[...] = ha
    o = jnp.sum(ha * w2_ref[...], axis=1, keepdims=True)
    out_ref[...] = jnp.tanh(o + b2_ref[...]).T


def _forward_tensorcore(x, mt, b1, w2, b2):
    bb = 1024
    grid = (_B // bb,)
    ha, out = pl.pallas_call(
        _forward_body,
        grid=grid,
        compiler_params=pltpu.CompilerParams(
            dimension_semantics=("parallel",)
        ),
        in_specs=[
            pl.BlockSpec((bb, _D), lambda i: (i, 0)),
            pl.BlockSpec((_H, _D), lambda i: (0, 0)),
            pl.BlockSpec((1, _H), lambda i: (0, 0)),
            pl.BlockSpec((1, _H), lambda i: (0, 0)),
            pl.BlockSpec((1, 1), lambda i: (0, 0)),
        ],
        out_specs=[
            pl.BlockSpec((bb, _H), lambda i: (i, 0)),
            pl.BlockSpec((1, bb), lambda i: (0, i)),
        ],
        out_shape=[
            jax.ShapeDtypeStruct((_B, _H), jnp.float32),
            jax.ShapeDtypeStruct((1, _B), jnp.float32),
        ],
    )(x, mt, b1.reshape(1, _H), w2.reshape(1, _H), b2.reshape(1, 1))
    return ha, out.reshape(_B)


def kernel(x, indices, W1, b1, W2, b2):
    mt = _build_mt_sparsecore(indices.T, W1.T)
    return _forward_tensorcore(x, mt, b1, W2, b2)

# --- scband reference (transcript-rebuilt; emitter-appended) ---
"""Pipeline reference for scband-sparse-net-torch-84095459655791 (READ-ONLY COPY).

The authoritative reference and input builder live on the scoring server;
editing this copy changes nothing except your own understanding.
"""

import jax, jax.numpy as jnp
import numpy as np

B = 4096
D = 512
H = 512
K = 16

def setup_inputs(seed: int = 0) -> dict:
    key = jax.random.key(seed)
    k1, k2, k3, k4 = jax.random.split(key, 4)
    x = jax.random.normal(k1, (B, D), dtype=jnp.float32)
    # buffer: per-hidden-unit sparse input taps, values in [0, D)
    indices = jax.random.randint(k2, (H, K), 0, D)
    # learned parameters sized per init_kwargs
    W1 = jax.random.normal(k3, (H, K), dtype=jnp.float32) * 0.5
    b1 = jnp.zeros((H,), dtype=jnp.float32)
    W2 = jax.random.normal(k4, (1, H), dtype=jnp.float32) * 0.5
    b2 = jnp.zeros((1,), dtype=jnp.float32)
    return {"x": x, "indices": indices, "W1": W1, "b1": b1, "W2": W2, "b2": b2}

def reference(x, indices, W1, b1, W2, b2):
    # Vectorized equivalent of the per-hidden-unit loop:
    # for each hidden unit i: h[:, i] = (x[:, indices[i]] * W1[i]).sum(-1) + b1[i]
    selected = x[:, indices]                      # gather -> [B, H, K]
    h = jnp.sum(selected * W1[None, :, :], axis=-1) + b1[None, :]  # [B, H]
    h_act = jnp.tanh(h)
    out = jnp.tanh(h_act @ W2.T + b2)             # [B, 1]
    out = jnp.squeeze(out, axis=-1)               # [B]
    return (h_act, out)

if __name__ == "__main__":
    import jax
    _d = setup_inputs()
    print(jax.jit(kernel)(*tuple(_d.values())))

</pallas_src>

<mosaic_0001>
#map = affine_map<(d0, d1) -> (0, 0)>
module attributes {stable_mosaic.version = 14 : i64} {
  func.func @build(%arg0: i32, %arg1: i32, %arg2: memref<16x512xi32, #tpu.memory_space<hbm>>, %arg3: memref<16x512xf32, #tpu.memory_space<hbm>>, %arg4: memref<512x512xf32, #tpu.memory_space<hbm>>, %arg5: memref<16x128xi32, #tpu.memory_space<vmem>>, %arg6: memref<16x128xf32, #tpu.memory_space<vmem>>, %arg7: memref<16x512xf32, #tpu.memory_space<vmem>>) attributes {dimension_semantics = [#tpu.dimension_semantics<core_parallel>, #tpu.dimension_semantics<subcore_parallel>], iteration_bounds = array<i64: 2, 16>, scalar_prefetch = 0 : i64, scratch_operands = 3 : i64, tpu.core_type = #tpu.core_type<sc_vector_subcore>, window_params = [{transform_indices = #map}, {transform_indices = #map}, {transform_indices = #map}]} {
    %mul3A = arith.constant 2 : i32
    %mul3A_0 = arith.muli %arg1, %mul3A : i32
    %add3A = arith.addi %mul3A_0, %arg0 : i32
    %mul3A_1 = arith.constant 16 : i32
    %mul3A_2 = arith.muli %add3A, %mul3A_1 : i32
    %jit3A = arith.constant 128 : i32
    %div3A = arith.divsi %mul3A_2, %jit3A : i32
    %sign3A = arith.constant 0 : i32
    %sign3A_3 = arith.cmpi sgt, %mul3A_2, %sign3A : i32
    %sign3A_4 = arith.extui %sign3A_3 : i1 to i32
    %sign3A_5 = arith.constant 0 : i32
    %sign3A_6 = arith.cmpi slt, %mul3A_2, %sign3A_5 : i32
    %sign3A_7 = arith.extui %sign3A_6 : i1 to i32
    %sign3A_8 = arith.subi %sign3A_4, %sign3A_7 : i32
    %sign3A_9 = arith.constant 0 : i32
    %sign3A_10 = arith.cmpi sgt, %jit3A, %sign3A_9 : i32
    %sign3A_11 = arith.extui %sign3A_10 : i1 to i32
    %sign3A_12 = arith.constant 0 : i32
    %sign3A_13 = arith.cmpi slt, %jit3A, %sign3A_12 : i32
    %sign3A_14 = arith.extui %sign3A_13 : i1 to i32
    %sign3A_15 = arith.subi %sign3A_11, %sign3A_14 : i32
    %ne3A = arith.cmpi ne, %sign3A_8, %sign3A_15 : i32
    %rem3A = arith.remsi %mul3A_2, %jit3A : i32
    %ne3A_16 = arith.constant 0 : i32
    %ne3A_17 = arith.cmpi ne, %rem3A, %ne3A_16 : i32
    %and3A = arith.andi %ne3A, %ne3A_17 : i1
    %sub3A = arith.constant 1 : i32
    %sub3A_18 = arith.subi %div3A, %sub3A : i32
    %select_n3A = arith.select %and3A, %sub3A_18, %div3A : i32
    %mul3A_19 = arith.constant 128 : i32
    %mul3A_20 = arith.muli %select_n3A, %mul3A_19 : i32
    %multiple_of3A = tpu.assume_multiple %mul3A_20, 128 : i32
    "tpu.region"() ({
      %run_scoped3A = tpu.sem_alloc : memref<!tpu.dma_semaphore, #tpu.memory_space<semaphore_mem>>
      %dma_start3A = arith.constant 0 : i32
      %dma_start3A_36 = tpu.memref_slice %arg2[%dma_start3A, %multiple_of3A] : memref<16x512xi32, #tpu.memory_space<hbm>> -> memref<16x128xi32, #tpu.memory_space<hbm>>
      %dma_start3A_37 = arith.constant 0 : i32
      %dma_start3A_38 = tpu.memref_slice %arg2[%dma_start3A_37, %multiple_of3A] : memref<16x512xi32, #tpu.memory_space<hbm>> -> memref<16x128xi32, #tpu.memory_space<hbm>>
      tpu.enqueue_dma source(%dma_start3A_38 : memref<16x128xi32, #tpu.memory_space<hbm>>) target(%arg5 : memref<16x128xi32, #tpu.memory_space<vmem>>) target_semaphore(%run_scoped3A : memref<!tpu.dma_semaphore, #tpu.memory_space<semaphore_mem>>)
      %dma_wait3A = arith.constant 0 : i32
      %dma_wait3A_39 = tpu.memref_slice %arg2[%dma_wait3A, %multiple_of3A] : memref<16x512xi32, #tpu.memory_space<hbm>> -> memref<16x128xi32, #tpu.memory_space<hbm>>
      %dma_wait3A_40 = arith.constant 0 : i32
      %dma_wait3A_41 = tpu.memref_slice %arg2[%dma_wait3A_40, %multiple_of3A] : memref<16x512xi32, #tpu.memory_space<hbm>> -> memref<16x128xi32, #tpu.memory_space<hbm>>
      tpu.wait_dma2 semaphore(%run_scoped3A : memref<!tpu.dma_semaphore, #tpu.memory_space<semaphore_mem>>) src(%dma_wait3A_41 : memref<16x128xi32, #tpu.memory_space<hbm>>) dst(%arg5 : memref<16x128xi32, #tpu.memory_space<vmem>>)
      tpu.yield
    }) : () -> ()
    "tpu.region"() ({
      %run_scoped3A = tpu.sem_alloc : memref<!tpu.dma_semaphore, #tpu.memory_space<semaphore_mem>>
      %dma_start3A = arith.constant 0 : i32
      %dma_start3A_36 = tpu.memref_slice %arg3[%dma_start3A, %multiple_of3A] : memref<16x512xf32, #tpu.memory_space<hbm>> -> memref<16x128xf32, #tpu.memory_space<hbm>>
      %dma_start3A_37 = arith.constant 0 : i32
      %dma_start3A_38 = tpu.memref_slice %arg3[%dma_start3A_37, %multiple_of3A] : memref<16x512xf32, #tpu.memory_space<hbm>> -> memref<16x128xf32, #tpu.memory_space<hbm>>
      tpu.enqueue_dma source(%dma_start3A_38 : memref<16x128xf32, #tpu.memory_space<hbm>>) target(%arg6 : memref<16x128xf32, #tpu.memory_space<vmem>>) target_semaphore(%run_scoped3A : memref<!tpu.dma_semaphore, #tpu.memory_space<semaphore_mem>>)
      %dma_wait3A = arith.constant 0 : i32
      %dma_wait3A_39 = tpu.memref_slice %arg3[%dma_wait3A, %multiple_of3A] : memref<16x512xf32, #tpu.memory_space<hbm>> -> memref<16x128xf32, #tpu.memory_space<hbm>>
      %dma_wait3A_40 = arith.constant 0 : i32
      %dma_wait3A_41 = tpu.memref_slice %arg3[%dma_wait3A_40, %multiple_of3A] : memref<16x512xf32, #tpu.memory_space<hbm>> -> memref<16x128xf32, #tpu.memory_space<hbm>>
      tpu.wait_dma2 semaphore(%run_scoped3A : memref<!tpu.dma_semaphore, #tpu.memory_space<semaphore_mem>>) src(%dma_wait3A_41 : memref<16x128xf32, #tpu.memory_space<hbm>>) dst(%arg6 : memref<16x128xf32, #tpu.memory_space<vmem>>)
      tpu.yield
    }) : () -> ()
    %broadcast_in_dim3A = arith.constant 0.000000e+00 : f32
    %broadcast_in_dim3A_21 = vector.broadcast %broadcast_in_dim3A : f32 to vector<16xf32>
    %scan3A = arith.constant 0 : i32
    %scan3A_22 = arith.constant 0 : i32
    %scan3A_23 = arith.constant 32 : i32
    %scan3A_24 = arith.addi %scan3A_22, %scan3A_23 : i32
    %scan3A_25 = arith.constant 1 : i32
    scf.for %scan3A_36 = %scan3A_22 to %scan3A_24 step %scan3A_25  : i32 {
      %mul3A_37 = arith.constant 16 : i32
      %mul3A_38 = arith.muli %scan3A_36, %mul3A_37 : i32
      %swap3A = arith.constant 0 : i32
      %swap3A_39 = arith.index_cast %swap3A : i32 to index
      %swap3A_40 = arith.index_cast %mul3A_38 : i32 to index
      %swap3A_41 = tpu.vector_load %arg7[%swap3A_39, %swap3A_40] {strides = array<i32>} : memref<16x512xf32, #tpu.memory_space<vmem>>, vector<16xf32>,
      tpu.vector_store %arg7[%swap3A_39, %swap3A_40], %broadcast_in_dim3A_21 {strides = array<i32>} : memref<16x512xf32, #tpu.memory_space<vmem>>, vector<16xf32>,
      %mul3A_42 = arith.constant 16 : i32
      %mul3A_43 = arith.muli %scan3A_36, %mul3A_42 : i32
      %swap3A_44 = arith.constant 1 : i32
      %swap3A_45 = arith.index_cast %swap3A_44 : i32 to index
      %swap3A_46 = arith.index_cast %mul3A_43 : i32 to index
      %swap3A_47 = tpu.vector_load %arg7[%swap3A_45, %swap3A_46] {strides = array<i32>} : memref<16x512xf32, #tpu.memory_space<vmem>>, vector<16xf32>,
      tpu.vector_store %arg7[%swap3A_45, %swap3A_46], %broadcast_in_dim3A_21 {strides = array<i32>} : memref<16x512xf32, #tpu.memory_space<vmem>>, vector<16xf32>,
      %mul3A_48 = arith.constant 16 : i32
      %mul3A_49 = arith.muli %scan3A_36, %mul3A_48 : i32
      %swap3A_50 = arith.constant 2 : i32
      %swap3A_51 = arith.index_cast %swap3A_50 : i32 to index
      %swap3A_52 = arith.index_cast %mul3A_49 : i32 to index
      %swap3A_53 = tpu.vector_load %arg7[%swap3A_51, %swap3A_52] {strides = array<i32>} : memref<16x512xf32, #tpu.memory_space<vmem>>, vector<16xf32>,
      tpu.vector_store %arg7[%swap3A_51, %swap3A_52], %broadcast_in_dim3A_21 {strides = array<i32>} : memref<16x512xf32, #tpu.memory_space<vmem>>, vector<16xf32>,
      %mul3A_54 = arith.constant 16 : i32
      %mul3A_55 = arith.muli %scan3A_36, %mul3A_54 : i32
      %swap3A_56 = arith.constant 3 : i32
      %swap3A_57 = arith.index_cast %swap3A_56 : i32 to index
      %swap3A_58 = arith.index_cast %mul3A_55 : i32 to index
      %swap3A_59 = tpu.vector_load %arg7[%swap3A_57, %swap3A_58] {strides = array<i32>} : memref<16x512xf32, #tpu.memory_space<vmem>>, vector<16xf32>,
      tpu.vector_store %arg7[%swap3A_57, %swap3A_58], %broadcast_in_dim3A_21 {strides = array<i32>} : memref<16x512xf32, #tpu.memory_space<vmem>>, vector<16xf32>,
      %mul3A_60 = arith.constant 16 : i32
      %mul3A_61 = arith.muli %scan3A_36, %mul3A_60 : i32
      %swap3A_62 = arith.constant 4 : i32
      %swap3A_63 = arith.index_cast %swap3A_62 : i32 to index
      %swap3A_64 = arith.index_cast %mul3A_61 : i32 to index
      %swap3A_65 = tpu.vector_load %arg7[%swap3A_63, %swap3A_64] {strides = array<i32>} : memref<16x512xf32, #tpu.memory_space<vmem>>, vector<16xf32>,
      tpu.vector_store %arg7[%swap3A_63, %swap3A_64], %broadcast_in_dim3A_21 {strides = array<i32>} : memref<16x512xf32, #tpu.memory_space<vmem>>, vector<16xf32>,
      %mul3A_66 = arith.constant 16 : i32
      %mul3A_67 = arith.muli %scan3A_36, %mul3A_66 : i32
      %swap3A_68 = arith.constant 5 : i32
      %swap3A_69 = arith.index_cast %swap3A_68 : i32 to index
      %swap3A_70 = arith.index_cast %mul3A_67 : i32 to index
      %swap3A_71 = tpu.vector_load %arg7[%swap3A_69, %swap3A_70] {strides = array<i32>} : memref<16x512xf32, #tpu.memory_space<vmem>>, vector<16xf32>,
      tpu.vector_store %arg7[%swap3A_69, %swap3A_70], %broadcast_in_dim3A_21 {strides = array<i32>} : memref<16x512xf32, #tpu.memory_space<vmem>>, vector<16xf32>,
      %mul3A_72 = arith.constant 16 : i32
      %mul3A_73 = arith.muli %scan3A_36, %mul3A_72 : i32
      %swap3A_74 = arith.constant 6 : i32
      %swap3A_75 = arith.index_cast %swap3A_74 : i32 to index
      %swap3A_76 = arith.index_cast %mul3A_73 : i32 to index
      %swap3A_77 = tpu.vector_load %arg7[%swap3A_75, %swap3A_76] {strides = array<i32>} : memref<16x512xf32, #tpu.memory_space<vmem>>, vector<16xf32>,
      tpu.vector_store %arg7[%swap3A_75, %swap3A_76], %broadcast_in_dim3A_21 {strides = array<i32>} : memref<16x512xf32, #tpu.memory_space<vmem>>, vector<16xf32>,
      %mul3A_78 = arith.constant 16 : i32
      %mul3A_79 = arith.muli %scan3A_36, %mul3A_78 : i32
      %swap3A_80 = arith.constant 7 : i32
      %swap3A_81 = arith.index_cast %swap3A_80 : i32 to index
      %swap3A_82 = arith.index_cast %mul3A_79 : i32 to index
      %swap3A_83 = tpu.vector_load %arg7[%swap3A_81, %swap3A_82] {strides = array<i32>} : memref<16x512xf32, #tpu.memory_space<vmem>>, vector<16xf32>,
      tpu.vector_store %arg7[%swap3A_81, %swap3A_82], %broadcast_in_dim3A_21 {strides = array<i32>} : memref<16x512xf32, #tpu.memory_space<vmem>>, vector<16xf32>,
      %mul3A_84 = arith.constant 16 : i32
      %mul3A_85 = arith.muli %scan3A_36, %mul3A_84 : i32
      %swap3A_86 = arith.constant 8 : i32
      %swap3A_87 = arith.index_cast %swap3A_86 : i32 to index
      %swap3A_88 = arith.index_cast %mul3A_85 : i32 to index
      %swap3A_89 = tpu.vector_load %arg7[%swap3A_87, %swap3A_88] {strides = array<i32>} : memref<16x512xf32, #tpu.memory_space<vmem>>, vector<16xf32>,
      tpu.vector_store %arg7[%swap3A_87, %swap3A_88], %broadcast_in_dim3A_21 {strides = array<i32>} : memref<16x512xf32, #tpu.memory_space<vmem>>, vector<16xf32>,
      %mul3A_90 = arith.constant 16 : i32
      %mul3A_91 = arith.muli %scan3A_36, %mul3A_90 : i32
      %swap3A_92 = arith.constant 9 : i32
      %swap3A_93 = arith.index_cast %swap3A_92 : i32 to index
      %swap3A_94 = arith.index_cast %mul3A_91 : i32 to index
      %swap3A_95 = tpu.vector_load %arg7[%swap3A_93, %swap3A_94] {strides = array<i32>} : memref<16x512xf32, #tpu.memory_space<vmem>>, vector<16xf32>,
      tpu.vector_store %arg7[%swap3A_93, %swap3A_94], %broadcast_in_dim3A_21 {strides = array<i32>} : memref<16x512xf32, #tpu.memory_space<vmem>>, vector<16xf32>,
      %mul3A_96 = arith.constant 16 : i32
      %mul3A_97 = arith.muli %scan3A_36, %mul3A_96 : i32
      %swap3A_98 = arith.constant 10 : i32
      %swap3A_99 = arith.index_cast %swap3A_98 : i32 to index
      %swap3A_100 = arith.index_cast %mul3A_97 : i32 to index
      %swap3A_101 = tpu.vector_load %arg7[%swap3A_99, %swap3A_100] {strides = array<i32>} : memref<16x512xf32, #tpu.memory_space<vmem>>, vector<16xf32>,
      tpu.vector_store %arg7[%swap3A_99, %swap3A_100], %broadcast_in_dim3A_21 {strides = array<i32>} : memref<16x512xf32, #tpu.memory_space<vmem>>, vector<16xf32>,
      %mul3A_102 = arith.constant 16 : i32
      %mul3A_103 = arith.muli %scan3A_36, %mul3A_102 : i32
      %swap3A_104 = arith.constant 11 : i32
      %swap3A_105 = arith.index_cast %swap3A_104 : i32 to index
      %swap3A_106 = arith.index_cast %mul3A_103 : i32 to index
      %swap3A_107 = tpu.vector_load %arg7[%swap3A_105, %swap3A_106] {strides = array<i32>} : memref<16x512xf32, #tpu.memory_space<vmem>>, vector<16xf32>,
      tpu.vector_store %arg7[%swap3A_105, %swap3A_106], %broadcast_in_dim3A_21 {strides = array<i32>} : memref<16x512xf32, #tpu.memory_space<vmem>>, vector<16xf32>,
      %mul3A_108 = arith.constant 16 : i32
      %mul3A_109 = arith.muli %scan3A_36, %mul3A_108 : i32
      %swap3A_110 = arith.constant 12 : i32
      %swap3A_111 = arith.index_cast %swap3A_110 : i32 to index
      %swap3A_112 = arith.index_cast %mul3A_109 : i32 to index
      %swap3A_113 = tpu.vector_load %arg7[%swap3A_111, %swap3A_112] {strides = array<i32>} : memref<16x512xf32, #tpu.memory_space<vmem>>, vector<16xf32>,
      tpu.vector_store %arg7[%swap3A_111, %swap3A_112], %broadcast_in_dim3A_21 {strides = array<i32>} : memref<16x512xf32, #tpu.memory_space<vmem>>, vector<16xf32>,
      %mul3A_114 = arith.constant 16 : i32
      %mul3A_115 = arith.muli %scan3A_36, %mul3A_114 : i32
      %swap3A_116 = arith.constant 13 : i32
      %swap3A_117 = arith.index_cast %swap3A_116 : i32 to index
      %swap3A_118 = arith.index_cast %mul3A_115 : i32 to index
      %swap3A_119 = tpu.vector_load %arg7[%swap3A_117, %swap3A_118] {strides = array<i32>} : memref<16x512xf32, #tpu.memory_space<vmem>>, vector<16xf32>,
      tpu.vector_store %arg7[%swap3A_117, %swap3A_118], %broadcast_in_dim3A_21 {strides = array<i32>} : memref<16x512xf32, #tpu.memory_space<vmem>>, vector<16xf32>,
      %mul3A_120 = arith.constant 16 : i32
      %mul3A_121 = arith.muli %scan3A_36, %mul3A_120 : i32
      %swap3A_122 = arith.constant 14 : i32
      %swap3A_123 = arith.index_cast %swap3A_122 : i32 to index
      %swap3A_124 = arith.index_cast %mul3A_121 : i32 to index
      %swap3A_125 = tpu.vector_load %arg7[%swap3A_123, %swap3A_124] {strides = array<i32>} : memref<16x512xf32, #tpu.memory_space<vmem>>, vector<16xf32>,
      tpu.vector_store %arg7[%swap3A_123, %swap3A_124], %broadcast_in_dim3A_21 {strides = array<i32>} : memref<16x512xf32, #tpu.memory_space<vmem>>, vector<16xf32>,
      %mul3A_126 = arith.constant 16 : i32
      %mul3A_127 = arith.muli %scan3A_36, %mul3A_126 : i32
      %swap3A_128 = arith.constant 15 : i32
      %swap3A_129 = arith.index_cast %swap3A_128 : i32 to index
      %swap3A_130 = arith.index_cast %mul3A_127 : i32 to index
      %swap3A_131 = tpu.vector_load %arg7[%swap3A_129, %swap3A_130] {strides = array<i32>} : memref<16x512xf32, #tpu.memory_space<vmem>>, vector<16xf32>,
      tpu.vector_store %arg7[%swap3A_129, %swap3A_130], %broadcast_in_dim3A_21 {strides = array<i32>} : memref<16x512xf32, #tpu.memory_space<vmem>>, vector<16xf32>,
    }
    %scan3A_26 = arith.constant 32 : i32
    %iota3A = tpu.iota {dimensions = array<i32: 0>} : vector<16xi32>
    %sub3A_27 = arith.subi %mul3A_2, %multiple_of3A : i32
    %add3A_28 = vector.broadcast %sub3A_27 : i32 to vector<16xi32>
    %add3A_29 = arith.addi %iota3A, %add3A_28 : vector<16xi32>
    %scan3A_30 = arith.constant 0 : i32
    %scan3A_31 = arith.constant 0 : i32
    %scan3A_32 = arith.constant 16 : i32
    %scan3A_33 = arith.addi %scan3A_31, %scan3A_32 : i32
    %scan3A_34 = arith.constant 1 : i32
    scf.for %scan3A_36 = %scan3A_31 to %scan3A_33 step %scan3A_34  : i32 {
      %mul3A_37 = arith.constant 0 : i32
      %mul3A_38 = vector.broadcast %mul3A_37 : i32 to vector<16xi32>
      %mul3A_39 = arith.muli %iota3A, %mul3A_38 : vector<16xi32>
      %add3A_40 = vector.broadcast %scan3A_36 : i32 to vector<16xi32>
      %add3A_41 = arith.addi %mul3A_39, %add3A_40 : vector<16xi32>
      %gather3A = tpu.vector_load_idx %arg5[%add3A_41, %add3A_29] : memref<16x128xi32, #tpu.memory_space<vmem>>[vector<16xi32>, vector<16xi32>], vector<16xi32>,
      %gather3A_42 = tpu.vector_load_idx %arg6[%add3A_41, %add3A_29] : memref<16x128xf32, #tpu.memory_space<vmem>>[vector<16xi32>, vector<16xi32>], vector<16xf32>,
      tpu.vector_store_idx %arg7[%iota3A, %gather3A], %gather3A_42 {add = true} : memref<16x512xf32, #tpu.memory_space<vmem>>[vector<16xi32>, vector<16xi32>], vector<16xf32>,
    }
    %scan3A_35 = arith.constant 16 : i32
    "tpu.region"() ({
      %run_scoped3A = tpu.sem_alloc : memref<!tpu.dma_semaphore, #tpu.memory_space<semaphore_mem>>
      %dma_start3A = arith.constant 0 : i32
      %dma_start3A_36 = tpu.memref_slice %arg4[%mul3A_2, %dma_start3A] : memref<512x512xf32, #tpu.memory_space<hbm>> -> memref<16x512xf32, #tpu.memory_space<hbm>>
      %dma_start3A_37 = arith.constant 0 : i32
      %dma_start3A_38 = tpu.memref_slice %arg4[%mul3A_2, %dma_start3A_37] : memref<512x512xf32, #tpu.memory_space<hbm>> -> memref<16x512xf32, #tpu.memory_space<hbm>>
      tpu.enqueue_dma source(%arg7 : memref<16x512xf32, #tpu.memory_space<vmem>>) target(%dma_start3A_38 : memref<16x512xf32, #tpu.memory_space<hbm>>) target_semaphore(%run_scoped3A : memref<!tpu.dma_semaphore, #tpu.memory_space<semaphore_mem>>)
      %dma_wait3A = arith.constant 0 : i32
      %dma_wait3A_39 = tpu.memref_slice %arg4[%mul3A_2, %dma_wait3A] : memref<512x512xf32, #tpu.memory_space<hbm>> -> memref<16x512xf32, #tpu.memory_space<hbm>>
      %dma_wait3A_40 = arith.constant 0 : i32
      %dma_wait3A_41 = tpu.memref_slice %arg4[%mul3A_2, %dma_wait3A_40] : memref<512x512xf32, #tpu.memory_space<hbm>> -> memref<16x512xf32, #tpu.memory_space<hbm>>
      tpu.wait_dma2 semaphore(%run_scoped3A : memref<!tpu.dma_semaphore, #tpu.memory_space<semaphore_mem>>) src(%arg7 : memref<16x512xf32, #tpu.memory_space<vmem>>) dst(%dma_wait3A_41 : memref<16x512xf32, #tpu.memory_space<hbm>>)
      tpu.yield
    }) : () -> ()
    return
  }
}

module attributes {stable_mosaic.version = 14 : i64} {
  func.func @_forward_body(%arg0: i32, %arg1: memref<1024x512xf32, #tpu.memory_space<vmem>>, %arg2: memref<512x512xf32, #tpu.memory_space<vmem>>, %arg3: memref<1x512xf32, #tpu.memory_space<vmem>>, %arg4: memref<1x512xf32, #tpu.memory_space<vmem>>, %arg5: memref<1x1xf32, #tpu.memory_space<vmem>>, %arg6: memref<1024x512xf32, #tpu.memory_space<vmem>>, %arg7: memref<1x1024xf32, #tpu.memory_space<vmem>>) attributes {dimension_semantics = [#tpu.dimension_semantics<parallel>], iteration_bounds = array<i64: 4>, scalar_prefetch = 0 : i64, scratch_operands = 0 : i64, tpu.core_type = #tpu.core_type<tc>, window_params = [{transform_indices = @transform_0, window_bounds = array<i64: 1024, 512>}, {pipeline_mode = #tpu.pipeline_mode<synchronous>, transform_indices = @transform_1, window_bounds = array<i64: 512, 512>}, {pipeline_mode = #tpu.pipeline_mode<synchronous>, transform_indices = @transform_2, window_bounds = array<i64: 1, 512>}, {pipeline_mode = #tpu.pipeline_mode<synchronous>, transform_indices = @transform_3, window_bounds = array<i64: 1, 512>}, {pipeline_mode = #tpu.pipeline_mode<synchronous>, transform_indices = @transform_4, window_bounds = array<i64: 1, 1>}, {transform_indices = @transform_5, window_bounds = array<i64: 1024, 512>}, {transform_indices = @transform_6, window_bounds = array<i64: 1, 1024>}]} {
    %get3A = arith.constant 0 : index
    %get3A_0 = arith.constant 0 : index
    %get3A_1 = vector.load %arg1[%get3A, %get3A_0] : memref<1024x512xf32, #tpu.memory_space<vmem>>, vector<1024x512xf32>
    %get3A_2 = arith.constant 0 : index
    %get3A_3 = arith.constant 0 : index
    %get3A_4 = vector.load %arg2[%get3A_2, %get3A_3] : memref<512x512xf32, #tpu.memory_space<vmem>>, vector<512x512xf32>
    %convert_element_type3A = arith.truncf %get3A_1 : vector<1024x512xf32> to vector<1024x512xbf16>
    %convert_element_type3A_5 = arith.truncf %get3A_4 : vector<512x512xf32> to vector<512x512xbf16>
    %convert_element_type3A_6 = arith.extf %convert_element_type3A : vector<1024x512xbf16> to vector<1024x512xf32>
    %sub3A = arith.subf %get3A_1, %convert_element_type3A_6 : vector<1024x512xf32>
    %convert_element_type3A_7 = arith.truncf %sub3A : vector<1024x512xf32> to vector<1024x512xbf16>
    %convert_element_type3A_8 = arith.extf %convert_element_type3A_5 : vector<512x512xbf16> to vector<512x512xf32>
    %sub3A_9 = arith.subf %get3A_4, %convert_element_type3A_8 : vector<512x512xf32>
    %convert_element_type3A_10 = arith.truncf %sub3A_9 : vector<512x512xf32> to vector<512x512xbf16>
    %dot_general3A = arith.constant dense<0.000000e+00> : vector<1024x512xf32>
    %dot_general3A_11 = tpu.matmul %convert_element_type3A, %convert_element_type3A_5, %dot_general3A {dimension_numbers = #tpu.dot_dimension_numbers<[1], [1], [0], [0], [0, 0, 1, 0], [], []>, transpose_lhs_hint = false} : vector<1024x512xbf16>, vector<512x512xbf16>, vector<1024x512xf32> -> vector<1024x512xf32>
    %dot_general3A_12 = arith.constant dense<0.000000e+00> : vector<1024x512xf32>
    %dot_general3A_13 = tpu.matmul %convert_element_type3A, %convert_element_type3A_10, %dot_general3A_12 {dimension_numbers = #tpu.dot_dimension_numbers<[1], [1], [0], [0], [0, 0, 1, 0], [], []>, transpose_lhs_hint = false} : vector<1024x512xbf16>, vector<512x512xbf16>, vector<1024x512xf32> -> vector<1024x512xf32>
    %add3A = arith.addf %dot_general3A_11, %dot_general3A_13 : vector<1024x512xf32>
    %dot_general3A_14 = arith.constant dense<0.000000e+00> : vector<1024x512xf32>
    %dot_general3A_15 = tpu.matmul %convert_element_type3A_7, %convert_element_type3A_5, %dot_general3A_14 {dimension_numbers = #tpu.dot_dimension_numbers<[1], [1], [0], [0], [0, 0, 1, 0], [], []>, transpose_lhs_hint = false} : vector<1024x512xbf16>, vector<512x512xbf16>, vector<1024x512xf32> -> vector<1024x512xf32>
    %add3A_16 = arith.addf %add3A, %dot_general3A_15 : vector<1024x512xf32>
    %get3A_17 = arith.constant 0 : index
    %get3A_18 = arith.constant 0 : index
    %get3A_19 = vector.load %arg3[%get3A_17, %get3A_18] : memref<1x512xf32, #tpu.memory_space<vmem>>, vector<1x512xf32>
    %add3A_20 = vector.broadcast %get3A_19 : vector<1x512xf32> to vector<1024x512xf32>
    %add3A_21 = arith.addf %add3A_16, %add3A_20 : vector<1024x512xf32>
    %tanh3A = math.tanh %add3A_21 : vector<1024x512xf32>
    %swap3A = arith.constant 0 : index
    %swap3A_22 = arith.constant 0 : index
    %swap3A_23 = vector.load %arg6[%swap3A, %swap3A_22] : memref<1024x512xf32, #tpu.memory_space<vmem>>, vector<1024x512xf32>
    tpu.vector_store %arg6[%swap3A, %swap3A_22], %tanh3A {strides = array<i32>} : memref<1024x512xf32, #tpu.memory_space<vmem>>, vector<1024x512xf32>,
    %get3A_24 = arith.constant 0 : index
    %get3A_25 = arith.constant 0 : index
    %get3A_26 = vector.load %arg4[%get3A_24, %get3A_25] : memref<1x512xf32, #tpu.memory_space<vmem>>, vector<1x512xf32>
    %mul3A = vector.broadcast %get3A_26 : vector<1x512xf32> to vector<1024x512xf32>
    %mul3A_27 = arith.mulf %tanh3A, %mul3A : vector<1024x512xf32>
    %reduce_sum3A = arith.constant dense<0.000000e+00> : vector<1024xf32>
    %reduce_sum3A_28 = vector.multi_reduction <add>, %mul3A_27, %reduce_sum3A [1] : vector<1024x512xf32> to vector<1024xf32>
    %broadcast_in_dim3A = vector.shape_cast %reduce_sum3A_28 : vector<1024xf32> to vector<1024x1xf32>
    %get3A_29 = arith.constant 0 : index
    %get3A_30 = arith.constant 0 : index
    %get3A_31 = vector.load %arg5[%get3A_29, %get3A_30] : memref<1x1xf32, #tpu.memory_space<vmem>>, vector<1x1xf32>
    %add3A_32 = vector.broadcast %get3A_31 : vector<1x1xf32> to vector<1024x1xf32>
    %add3A_33 = arith.addf %broadcast_in_dim3A, %add3A_32 : vector<1024x1xf32>
    %tanh3A_34 = math.tanh %add3A_33 : vector<1024x1xf32>
    %transpose3A = tpu.transpose %tanh3A_34, [1, 0] : vector<1024x1xf32> -> vector<1x1024xf32>
    %swap3A_35 = arith.constant 0 : index
    %swap3A_36 = arith.constant 0 : index
    %swap3A_37 = vector.load %arg7[%swap3A_35, %swap3A_36] : memref<1x1024xf32, #tpu.memory_space<vmem>>, vector<1x1024xf32>
    tpu.vector_store %arg7[%swap3A_35, %swap3A_36], %transpose3A {strides = array<i32>} : memref<1x1024xf32, #tpu.memory_space<vmem>>, vector<1x1024xf32>,
    return
  }
  func.func @transform_0(%arg0: i32) -> (i32, i32) {
    %c0_i32 = arith.constant 0 : i32
    %c0_i32_0 = arith.constant 0 : i32
    return %arg0, %c0_i32 : i32, i32
  }
  func.func @transform_1(%arg0: i32) -> (i32, i32) {
    %c0_i32 = arith.constant 0 : i32
    %c0_i32_0 = arith.constant 0 : i32
    %c0_i32_1 = arith.constant 0 : i32
    return %c0_i32, %c0_i32_0 : i32, i32
  }
  func.func @transform_2(%arg0: i32) -> (i32, i32) {
    %c0_i32 = arith.constant 0 : i32
    %c0_i32_0 = arith.constant 0 : i32
    %c0_i32_1 = arith.constant 0 : i32
    return %c0_i32, %c0_i32_0 : i32, i32
  }
  func.func @transform_3(%arg0: i32) -> (i32, i32) {
    %c0_i32 = arith.constant 0 : i32
    %c0_i32_0 = arith.constant 0 : i32
    %c0_i32_1 = arith.constant 0 : i32
    return %c0_i32, %c0_i32_0 : i32, i32
  }
  func.func @transform_4(%arg0: i32) -> (i32, i32) {
    %c0_i32 = arith.constant 0 : i32
    %c0_i32_0 = arith.constant 0 : i32
    %c0_i32_1 = arith.constant 0 : i32
    return %c0_i32, %c0_i32_0 : i32, i32
  }
  func.func @transform_5(%arg0: i32) -> (i32, i32) {
    %c0_i32 = arith.constant 0 : i32
    %c0_i32_0 = arith.constant 0 : i32
    return %arg0, %c0_i32 : i32, i32
  }
  func.func @transform_6(%arg0: i32) -> (i32, i32) {
    %c0_i32 = arith.constant 0 : i32
    %c0_i32_0 = arith.constant 0 : i32
    return %c0_i32, %arg0 : i32, i32
  }
}

</mosaic_0001>

<sc_bundles>
// kernel: kernel.4.cloned.1.call-start
scs
__scs_entry_jumppad:
0x0: {  	(pc) =	sbr.rel $0x88, $3  }
0x1: {  	(tag) =	ssettag $0x0;
	lr =	simm.s32 $0x1  }
0x2: {  	[smem:$0x3F9B] =	sst lr;
	_ =	strace $0xD0000000  }
0x3: {  	_ = 	snop  }
0x4: {  	_ = 	snop  }
0x5: {  	_ = 	snop  }
0x6: {  	_ = 	snop  }
0x7: {  	_ = 	snop  }
__scs_overlays_trampoline_lowered:
0x8: {  	[smem:$0x3FAA] =	sst s0  }
0x9: {  	[smem:$0x3FAB] =	sst s1  }
0xa: {  	[smem:$0x3FAC] =	sst s2  }
0xb: {  	[smem:$0x3FAD] =	sst s3  }
0xc: {  	[smem:$0x3FAE] =	sst s4  }
0xd: {  	[smem:$0x3FAF] =	sst s5  }
0xe: {  	[smem:$0x3FB0] =	sst s6  }
0xf: {  	[smem:$0x3FB1] =	sst s7  }
0x10: {  	[smem:$0x3FB2] =	sst s8  }
0x11: {  	[smem:$0x3FB3] =	sst s9;
	s0 =	simm.s32 @!p0 $0x0  }
0x12: {  	s1 =	sld [smem:$0x3F99];
	s0 =	simm.s32 @p0 $0x1  }
0x13: {  	[smem:$0x3FB4] =	sst s0;
	s0 =	simm.s32 @!p1 $0x0  }
0x14: {  	s2 =	sld [smem:$0x3F98];
	s0 =	simm.s32 @p1 $0x1  }
0x15: {  	[smem:$0x3FB5] =	sst s0;
	s0 =	simm.s32 @!p2 $0x0  }
0x16: {  	s3 =	sld [smem:$0x3FDB];
	s0 =	simm.s32 @p2 $0x1  }
0x17: {  	s4 =	simm.s32 $0x1BF5;
	[smem:$0x3FB7] =	sst s0  }
0x18: {  	s0 =	sld [smem:$0x3F9A];
	_ =	swait.ge [sflag:s4], $0x0  }
0x19: {  	s7 =	sld [smem:$0x3F9B]  }
0x1a: {  	s8 =	sadd.s32 $0xFFFFE003, lr  }
0x1b: {  	s9 =	sadd.s32 $0xFFFFFEF7, lr;
	s5 =	simm.s32 $0xFFFFFFFF;
	p2 =	slt.u32 s8, $0xFFFFF086  }
0x1c: {  	p1 =	slt.u32 s9, $0xF7A;
	s5 =	simm.s32 @!p2 $0x0  }
0x1d: {  	s5 =	simm.s32 @p1 $0x1;
	p0 =	seq.s32 s7, s2  }
0x1e: {  	s7 =	smul.u32 @!p0 $0xF7A, s2;
	p2 =	seq.s32 @!p0 s5, $0x0  }
0x1f: {  	s9 =	smul.u32 $0xF7A, s1;
	s8 =	simm.s32 @!p0 $0x1BF5;
	p2 =	por !p2, p0  }
0x20: {  	[sflag:s8] =	ssyncset.s32 @!p0 $0xFFFFF086;
	s6 =	sadd.s32 @!p0 s3, s7;
	s7 =	simm.s32 @!p0 $0x108  }
0x21: {  	s3 =	sadd.s32 s3, s9;
	s6 =	sadd.s32 @!p0 $0x88, s6;
	s7 =	simm.s32 @p2 $0x1082  }
0x22: {  	[simem:s7], [sflag:s8] =	dma.local @!p0 [hbm:s6], $0xF7A  }
0x23: {  	s9 =	sor.u32 $0xD0000000, s2;
	s6 =	simm.s32 $0x108;
	_ =	swait.ge @!p0 [sflag:s8], $0x0  }
0x24: {  	s3 =	sadd.s32 $0x88, s3;
	s6 =	simm.s32 @!p1 $0x1082;
	[sflag:s4] =	ssyncset.s32 $0xFFFFF086  }
0x25: {  	[simem:s6], [sflag:s4] =	dma.local [hbm:s3], $0xF7A  }
0x26: {  	[smem:$0x3F9B] =	sst s1;
	(tag) =	ssettag s2;
	_ =	strace s9  }
0x27: {  	s1 =	sld [smem:$0x3FAB]  }
0x28: {  	s2 =	sld [smem:$0x3FAC]  }
0x29: {  	s4 =	sld [smem:$0x3FAE]  }
0x2a: {  	p0 =	seq.s32 s5, $0x0;
	s5 =	sld [smem:$0x3FAF]  }
0x2b: {  	s6 =	sld [smem:$0x3FB0]  }
0x2c: {  	s7 =	sld [smem:$0x3FB1]  }
0x2d: {  	s3 =	simm.s32 $0x108;
	s8 =	sld [smem:$0x3FB2]  }
0x2e: {  	s3 =	simm.s32 @!p0 $0x1082;
	s9 =	sld [smem:$0x3FB3]  }
0x2f: {  	lr =	sadd.s32 s0, s3;
	s0 =	sld [smem:$0x3FAA]  }
0x30: {  	s3 =	sld [smem:$0x3FAD]  }
0x31: {  	[smem:$0x3FB6] =	sst s10  }
0x32: {  	s10 =	sld [smem:$0x3FB4];
	_ =	sdelay $0x3  }
0x33: {  	p0 =	seq.s32 s10, $0x1;
	s10 =	sld [smem:$0x3FB6];
	_ =	sdelay $0x3  }
0x34: {  	[smem:$0x3FB6] =	sst s10  }
0x35: {  	s10 =	sld [smem:$0x3FB5];
	_ =	sdelay $0x3  }
0x36: {  	p1 =	seq.s32 s10, $0x1;
	s10 =	sld [smem:$0x3FB6];
	_ =	sdelay $0x3  }
0x37: {  	[smem:$0x3FB6] =	sst s10  }
0x38: {  	s10 =	sld [smem:$0x3FB7]  }
0x39: {  	_ = 	snop;
	(pc) =	sbr.ind lr, $3  }
0x3a: {  	_ = 	snop  }
0x3b: {  	_ = 	snop  }
0x3c: {  	p2 =	seq.s32 s10, $0x1;
	s10 =	sld [smem:$0x3FB6]  }
0x3d: {  	_ =	shalt  }
0x3e: {  	_ =	shalt  }
0x3f: {  	_ =	shalt  }
0x40: {  	_ =	shalt  }
0x41: {  	_ =	shalt  }
0x42: {  	_ =	shalt  }
0x43: {  	_ =	shalt  }
0x44: {  	_ =	shalt  }
0x45: {  	_ =	shalt  }
0x46: {  	_ =	shalt  }
0x47: {  	_ =	shalt  }
0x48: {  	_ =	shalt  }
0x49: {  	_ =	shalt  }
0x4a: {  	_ =	shalt  }
0x4b: {  	_ =	shalt  }
0x4c: {  	_ =	shalt  }
0x4d: {  	_ =	shalt  }
0x4e: {  	_ =	shalt  }
0x4f: {  	_ =	shalt  }
0x50: {  	_ =	shalt  }
0x51: {  	_ =	shalt  }
0x52: {  	_ =	shalt  }
0x53: {  	_ =	shalt  }
0x54: {  	_ =	shalt  }
0x55: {  	_ =	shalt  }
0x56: {  	_ =	shalt  }
0x57: {  	_ =	shalt  }
0x58: {  	_ =	shalt  }
0x59: {  	_ =	shalt  }
0x5a: {  	_ =	shalt  }
0x5b: {  	_ =	shalt  }
0x5c: {  	_ =	shalt  }
0x5d: {  	_ =	shalt  }
0x5e: {  	_ =	shalt  }
0x5f: {  	_ =	shalt  }
0x60: {  	_ =	shalt  }
0x61: {  	_ =	shalt  }
0x62: {  	_ =	shalt  }
0x63: {  	_ =	shalt  }
0x64: {  	_ =	shalt  }
0x65: {  	_ =	shalt  }
0x66: {  	_ =	shalt  }
0x67: {  	_ =	shalt  }
0x68: {  	_ =	shalt  }
0x69: {  	_ =	shalt  }
0x6a: {  	_ =	shalt  }
0x6b: {  	_ =	shalt  }
0x6c: {  	_ =	shalt  }
0x6d: {  	_ =	shalt  }
0x6e: {  	_ =	shalt  }
0x6f: {  	_ =	shalt  }
0x70: {  	_ =	shalt  }
0x71: {  	_ =	shalt  }
0x72: {  	_ =	shalt  }
0x73: {  	_ =	shalt  }
0x74: {  	_ =	shalt  }
0x75: {  	_ =	shalt  }
0x76: {  	_ =	shalt  }
0x77: {  	_ =	shalt  }
0x78: {  	_ =	shalt  }
0x79: {  	_ =	shalt  }
0x7a: {  	_ =	shalt  }
0x7b: {  	_ =	shalt  }
0x7c: {  	_ =	shalt  }
0x7d: {  	_ =	shalt  }
0x7e: {  	_ =	shalt  }
0x7f: {  	_ =	shalt  }
0x80: {  	_ =	shalt  }
0x81: {  	_ =	shalt  }
0x82: {  	_ =	shalt  }
0x83: {  	_ =	shalt  }
0x84: {  	_ =	shalt  }
0x85: {  	_ =	shalt  }
0x86: {  	_ =	shalt  }
0x87: {  	_ =	shalt  }
.Lfunc_end0:
.L_simem_size_0:
called_computation_lowered:
.L_overlay_start_0:
0x88: {  	s2 =	sld [smem:$0x3FD9]  }
0x89: {  	s3 =	sld [smem:$0x3FFE];
	_ =	sdelay $0x1  }
0x8a: {  	s1 =	srdreg.scid  }
0x8b: {  	s0 =	sand.u32 $0x1, s1  }
0x8c: {  	s15 =	sshll.u32 s0, $0xA;
	s2 =	sadd.s32 s3, s2  }
0x8d: {  	s2 =	sadd.s32 s2, s15  }
0x8e: {  	[smem:$0x3FC2] =	sst s2  }
0x8f: {  	_ = 	snop  }
0x90: {  	s2 =	sld [smem:$0x3FD0];
	_ =	sdelay $0x1  }
0x91: {  	s16 =	sld [smem:$0x3FC8]  }
0x92: {  	s5 =	simm.s32 $0xA;
	s6 =	simm.s32 $0x10;
	s4 =	sld [smem:$0x3FC7]  }
0x93: {  	[smem:s6], [sflag:s5] =	dma.local [hbm:s2], $0x1  }
0x94: {  	_ =	swait.eq [sflag:s5], $0x1  }
0x95: {  	[sflag:s5] =	ssyncset.done $0x0  }
0x96: {  	[sflag:s5] =	ssyncadd.s32 $0xFFFFFFFF  }
0x97: {  	s17 =	sld [smem:$0x10];
	(tm) =	ssettm $0x1  }
0x98: {  	s18 =	sld [smem:$0x3FFB];
	_ =	sdelay $0x3  }
0x99: {  	_ =	strace s18  }
0x9a: {  	s5 =	sld [smem:$0x3FFC];
	_ =	sdelay $0x3  }
0x9b: {  	_ =	strace s5  }
0x9c: {  	s5 =	sld [smem:$0x3FFD];
	_ =	sdelay $0x3  }
0x9d: {  	_ =	strace s5  }
0x9e: {  	_ =	strace $0x8FFFFFFF  }
0x9f: {  	s19 =	sld [smem:$0x3FDB];
	_ =	sdelay $0x1  }
0xa0: {  	s20 =	simm.s32 $_scs_section_size  }
0xa1: {  	s7 =	simm.s32 $_size__tile_overlayer_lowered;
	s8 =	simm.s32 $_tile_overlayer_lowered  }
0xa2: {  	s23 =	simm.s32 $0x1BFF;
	s22 =	sshll.u32 s8, $0x1;
	s5 =	sadd.s32 s20, s19  }
0xa3: {  	s9 =	simm.s32 $0x0;
	s21 =	sshll.u32 s7, $0x1;
	s7 =	sadd.s32 s22, s5  }
0xa4: {  	[timem:s9], [sflag:s23] =	dma.local [hbm:s7], s21  }
0xa5: {  	_ =	swait.ge [sflag:s23], s21  }
0xa6: {  	s6 =	ssub.s32 $0x0, s21;
	[sflag:s23] =	ssyncset.done $0x0  }
0xa7: {  	[sflag:s23] =	ssyncadd.s32 s6;
	_ =	sdelay $0x1  }
0xa8: {  	s24 =	simm.s32 $0x1B8B  }
0xa9: {  	_ =	swait.ge [sflag:s24], $0x1  }
0xaa: {  	[sflag:s24] =	ssyncset.done $0x0  }
0xab: {  	s25 =	simm.s32 $0x1B8E;
	[sflag:s24] =	ssyncadd.s32 $0xFFFFFFFF  }
0xac: {  	s26 =	simm.s32 $execute0_lowered;
	[smem:$0x3FD2] =	sst s25  }
0xad: {  	s6 =	sshll.u32 s26, $0x1;
	_ =	strace $0x80000046;
	[dreg:$0x1] =	wrdreg $0xFFFFFFFF  }
0xae: {  	s28 =	simm.s32 $_size_execute0_lowered;
	s5 =	sadd.s32 s5, s6;
	[dreg:$0x0] =	wrdreg $0x0  }
0xaf: {  	s6 =	sshll.u32 s28, $0x1;
	[dreg:$0x2] =	wrdreg s5  }
0xb0: {  	[dreg:$0x3] =	wrdreg s6  }
0xb1: {  	[dreg:$0x4] =	wrdreg $0xC0  }
0xb2: {  	_ =	task [dreg:s9], $0x5FFFF  }
0xb3: {  	[dreg:$0x1] =	wrdreg $0xFFFFFFFF  }
0xb4: {  	[dreg:$0x0] =	wrdreg $0x60  }
0xb5: {  	[dreg:$0x2] =	wrdreg s16  }
0xb6: {  	[dreg:$0x3] =	wrdreg s4  }
0xb7: {  	[dreg:$0x4] =	wrdreg s17  }
0xb8: {  	[dreg:$0x5] =	wrdreg $0x9  }
0xb9: {  	_ =	task.clear_ibuf [dreg:s9], $0x6FFFF;
	_ =	strace $0x90000046  }
0xba: {  	s29 =	simm.s32 $0x9;
	_ =	strace $0x80000048  }
0xbb: {  	_ =	swait.ge [sflag:s29], $0x1  }
0xbc: {  	[sflag:s29] =	ssyncadd.s32 $0xFFFFFFFF  }
0xbd: {  	_ =	strace $0x90000048  }
0xbe: {  	_ =	sfence  }
0xbf: {  	s30 =	sld [smem:$0x0];
	_ =	sdelay $0x2  }
0xc0: {  	s31 =	sshll.u32 s1, $0xD;
	s1 =	sshrl.u32 s1, $0x2  }
0xc1: {  	s3 =	sand.u32 $0x4000, s31;
	s1 =	sadd.s32 s1, s30  }
0xc2: {  	s0 =	sor.u32 s3, s0;
	s1 =	sshll.u32 s1, $0x11  }
0xc3: {  	s0 =	sor.u32 s1, s0  }
0xc4: {  	s0 =	sadd.s32 $0x8F2B, s0  }
0xc5: {  	[sflag:s0] =	ssyncadd.remote.s32 $0x1  }
0xc6: {  	_ =	sfence.sel $0xFFFF  }
0xc7: {  	[dreg:$0x0] =	wrdreg $0xFFFFFFFF;
	(pc) =	sbr.abs _section_cstart, $3  }
0xc8: {  	[dreg:$0x1] =	wrdreg $0xFFFFFFFF  }
0xc9: {  	_ =	task.clear_ibuf [dreg:s9], $0x2FFFF;
	_ =	strace $0x9FFFFFFF  }
0xca: {  	(tm) =	ssettm $0x7FFFFFFF  }
0xcb: {  	_ =	shalt  }
tec
execute0_lowered:
.L_overlay_start_1:
0x0: {  	(tag) =	ssettag $0x1  }
0x1: {  	v0 =	vimm.s32 $0x1380;
	vm0 =	vcmask $0x300  }
0x2: {  	vm14 =	vcmask $0x704;
	v0 =	vsel vm0, $0x0, v0  }
0x3: {  	vm15 =	vcmask $0xB08;
	v0 =	vsel vm14, $0x80, v0  }
0x4: {  	vm4 =	vcmask $0xF0C;
	v0 =	vsel vm15, $0x100, v0  }
0x5: {  	s3 =	rddreg [dreg:$0x0];
	vm5 =	vcmask $0x1310;
	v0 =	vsel vm4, $0x180, v0  }
0x6: {  	s4 =	rddreg [dreg:$0x1];
	vm6 =	vcmask $0x1714;
	v0 =	vsel vm5, $0x200, v0  }
0x7: {  	s6 =	rddreg [dreg:$0x2];
	vm7 =	vcmask $0x1B18;
	v0 =	vsel vm6, $0x280, v0  }
0x8: {  	s0 =	rddreg [dreg:$0x3];
	vm8 =	vcmask $0x1F1C;
	v0 =	vsel vm7, $0x300, v0  }
0x9: {  	s1 =	simm.s32 $0x0;
	s5 =	srdreg.scid;
	vm9 =	vcmask $0x2320;
	s2 =	stileid.u32;
	v0 =	vsel vm8, $0x380, v0  }
0xa: {  	vm10 =	vcmask $0x2724;
	s10 =	simm.s32 $0x1;
	s11 =	simm.s32 $0x800;
	s12 =	simm.s32 $0x0;
	v0 =	vsel vm9, $0x1000, v0  }
0xb: {  	vm11 =	vcmask $0x2B28;
	[smem:$0x7FF] =	sst s1;
	s5 =	sand.u32 $0x1, s5;
	s8 =	sshll.u32 s2, $0x5;
	v0 =	vsel vm10, $0x1080, v0  }
0xc: {  	vm12 =	vcmask $0x2F2C;
	_ =	strace $0x80000047;
	s7 =	ssub.s32 $0x2, s5;
	s5 =	sshll.u32 s5, $0x4;
	v0 =	vsel vm11, $0x1100, v0  }
0xd: {  	vm13 =	vcmask $0x3330;
	s9 =	sshrl.u32 s7, $0x1;
	s5 =	sor.u32 s5, s8;
	s8 =	sand.u32 $0x180, s8;
	v0 =	vsel vm12, $0x1180, v0  }
0xe: {  	vm14 =	vcmask $0x3734;
	s7 =	ssub.s32 s7, s9;
	s3 =	sadd.s32 s3, s8;
	s31 =	sshll.u32 s5, $0x6;
	v0 =	vsel vm13, $0x1200, v0  }
0xf: {  	vm15 =	vcmask $0x3B38;
	s4 =	sadd.s32 s4, s8;
	s5 =	sand.u32 $0x70, s5;
	s8 =	simm.s32 $0x400;
	v2 =	vsel vm14, $0x1280, v0  }
0x10: {  	v1 =	vlaneseq.u32;
	s9 =	simm.s32 $0x1000;
	s6 =	sadd.s32 s6, s31;
	s7 =	smax.u32 s7, $0x1;
	v0 =	vimm.f32 $0.0e+00;
	v2 =	vsel vm15, $0x1300, v2  }
.LBB2_1:
0x11: {  	[tilespmem:s1], [sflag:$0x1] =	stream.strided.gather [hbm4b:s3+s8], $0x800, s9, s8, $0x38;
	[tilespmem:$0x3000] =	vst v63  }
0x12: {  	_ =	swait.ge [sflag:s10], $0x800  }
0x13: {  	[sflag:s10] =	ssyncset.done $0x0  }
0x14: {  	[sflag:s10] =	ssyncadd.s32 $0xFFFFF800  }
0x15: {  	[tilespmem:s11], [sflag:$0x1] =	stream.strided.gather [hbm4b:s4+s8], $0x800, s9, s8, $0x38;
	[tilespmem:$0x3000] =	vst v63  }
0x16: {  	_ =	swait.ge [sflag:s10], $0x800  }
0x17: {  	s13 =	sand.u32 $0x70, s1;
	s14 =	sand.u32 $0xC00, s1;
	[sflag:s10] =	ssyncset.done $0x0  }
0x18: {  	s13 =	sor.u32 s13, s14;
	[sflag:s10] =	ssyncadd.s32 $0xFFFFF800  }
0x19: {  	[tilespmem:s13+$0x1080] =	vst v0  }
0x1a: {  	[tilespmem:s13+$0x1100] =	vst v0  }
0x1b: {  	[tilespmem:s13+$0x1180] =	vst v0  }
0x1c: {  	[tilespmem:s13+$0x1200] =	vst v0  }
0x1d: {  	[tilespmem:s13+$0x1280] =	vst v0  }
0x1e: {  	s16 =	sor.u32 s1, s1;
	s15 =	simm.s32 $0x0;
	s14 =	simm.s32 $0x10;
	[tilespmem:s13+$0x1300] =	vst v0  }
.LBB2_2:
0x1f: {  	p0 =	sne.s32 s14, $0x1F0;
	[tilespmem:s13+$0x1000] =	vst v0;
	s16 =	sor.u32 $0x380, s16  }
0x20: {  	[tilespmem:s16+$0x1000] =	vst v0  }
0x21: {  	[tilespmem:s13+$0x2000] =	vst v0  }
0x22: {  	[tilespmem:s13+$0x2080] =	vst v0  }
0x23: {  	[tilespmem:s13+$0x2100] =	vst v0  }
0x24: {  	[tilespmem:s13+$0x2180] =	vst v0  }
0x25: {  	[tilespmem:s13+$0x2200] =	vst v0  }
0x26: {  	s15 =	sadd.s32 $0x80, s15;
	[tilespmem:s13+$0x2280] =	vst v0  }
0x27: {  	s16 =	sand.u32 $0x70, s14;
	s17 =	sand.u32 $0xC00, s15;
	[tilespmem:s13+$0x2300] =	vst v0  }
0x28: {  	[tilespmem:s13+$0x2380] =	vst v0;
	s13 =	sor.u32 s16, s17  }
0x29: {  	[tilespmem:s13+$0x1080] =	vst v0  }
.Ltmp0:
0x2a: {  	[tilespmem:s13+$0x1100] =	vst v0;
	(pc) =	sbr.rel @p0 .LBB2_2-.Ltmp0, $4  }
0x2b: {  	[tilespmem:s13+$0x1180] =	vst v0  }
0x2c: {  	[tilespmem:s13+$0x1200] =	vst v0  }
0x2d: {  	[tilespmem:s13+$0x1280] =	vst v0  }
0x2e: {  	s16 =	sor.u32 s15, s14;
	s14 =	sadd.s32 $0x10, s14;
	[tilespmem:s13+$0x1300] =	vst v0  }
0x2f: {  	[tilespmem:s13+$0x1000] =	vst v0;
	s14 =	sor.u32 $0x380, s16  }
0x30: {  	[tilespmem:s14+$0x1000] =	vst v0  }
0x31: {  	[tilespmem:s13+$0x2000] =	vst v0  }
0x32: {  	s31 =	simm.s32 $0x0;
	[tilespmem:s13+$0x2080] =	vst v0  }
0x33: {  	s14 =	sor.u32 s5, s31;
	[tilespmem:s13+$0x2100] =	vst v0  }
0x34: {  	[tilespmem:s13+$0x2180] =	vst v0;
	v3 =	vor.u32 s14, v1  }
0x35: {  	[tilespmem:s13+$0x2200] =	vst v0  }
0x36: {  	[tilespmem:s13+$0x2280] =	vst v0  }
0x37: {  	[tilespmem:s13+$0x2300] =	vst v0  }
0x38: {  	[tilespmem:s13+$0x2380] =	vst v0  }
0x39: {  	v4 =	vld.idx.msk [tilespmem:v3+s1+$0x0], $0xffff;
	_ =	sdelay $0x4  }
0x3a: {  	v5 =	vshll.u32 v4, $0x3  }
0x3b: {  	v4 =	vand.u32 $0x7F, v4;
	v5 =	vand.u32 $0xFFFFFC00, v5  }
0x3c: {  	s14 =	simm.s32 $0x80;
	s13 =	simm.s32 $0x2;
	v3 =	vld.idx.msk [tilespmem:v3+s11+$0x0], $0xffff;
	v4 =	vor.u32 v4, v5  }
.LBB2_4:
0x3d: {  	p0 =	sne.s32 s13, $0xF;
	s14 =	sor.u32 s5, s14;
	v4 =	vadd.s32 v2, v4  }
0x3e: {  	v5 =	vor.u32 s14, v1;
	_ =	sdelay $0x3  }
0x3f: {  	[tilespmem:v4+s9+$0x0] =	vst.idx.add.f32.msk $0xffff, v3  }
0x40: {  	v3 =	vld.idx.msk [tilespmem:v5+s1+$0x0], $0xffff;
	_ =	sdelay $0x3  }
.Ltmp1:
0x41: {  	(pc) =	sbr.rel @p0 .LBB2_4-.Ltmp1, $4  }
0x42: {  	_ = 	snop  }
0x43: {  	v4 =	vshll.u32 v3, $0x3  }
0x44: {  	v6 =	vand.u32 $0x7F, v3;
	v4 =	vand.u32 $0xFFFFFC00, v4  }
0x45: {  	s14 =	sshll.u32 s13, $0x7;
	s13 =	sadd.s32 $0x1, s13;
	v4 =	vor.u32 v6, v4;
	v3 =	vld.idx.msk [tilespmem:v5+s11+$0x0], $0xffff  }
0x46: {  	s13 =	sor.u32 s5, s14;
	v4 =	vadd.s32 v2, v4  }
0x47: {  	v5 =	vor.u32 s13, v1;
	_ =	sdelay $0x3  }
0x48: {  	[tilespmem:v4+s9+$0x0] =	vst.idx.add.f32.msk $0xffff, v3  }
0x49: {  	v3 =	vld.idx.msk [tilespmem:v5+s1+$0x0], $0xffff;
	_ =	sdelay $0x4  }
0x4a: {  	v62 =	vshll.u32 v3, $0x3  }
0x4b: {  	v3 =	vand.u32 $0x7F, v3;
	v4 =	vand.u32 $0xFFFFFC00, v62  }
0x4c: {  	v3 =	vor.u32 v3, v4  }
0x4d: {  	v63 =	vld.idx.msk [tilespmem:v5+s11+$0x0], $0xffff;
	v3 =	vadd.s32 v2, v3;
	_ =	sdelay $0x2  }
0x4e: {  	s12 =	sadd.s32 $0x1, s12  }
0x4f: {  	p0 =	sne.s32 s12, s7  }
.Ltmp2:
0x50: {  	[tilespmem:v3+s9+$0x0] =	vst.idx.add.f32.msk $0xffff, v63;
	(pc) =	sbr.rel @p0 .LBB2_1-.Ltmp2, $4  }
0x51: {  	[hbm4b:s6+s1] =	stream.linear.scatter [tilespmem:s9], [sflag:$0x1], $0x2000, $0x38;
	[tilespmem:$0x3000] =	vst v63  }
0x52: {  	_ =	swait.ge [sflag:s10], $0x2000  }
0x53: {  	[sflag:s10] =	ssyncset.done $0x0  }
0x54: {  	[sflag:s10] =	ssyncadd.s32 $0xFFFFE000  }
0x55: {  	_ =	sfence.sel $0x180000  }
0x56: {  	[bflag:$0x0] =	sbarrier.arrive $0xFFFF  }
0x57: {  	p0 =	sne.s32 s2, $0x0;
	_ =	strace $0x90000047  }
0x58: {  	s0 =	sadd.s32 @!p0 $0x100000, s0;
	[bflag:$0x2] =	sbarrier.arrive $0xFFFF  }
0x59: {  	[sflag:s0] =	ssyncadd.tile.s32 @!p0 $0x1;
	_ =	shalt  }
.Lfunc_end2:
_tile_overlayer_lowered:
.L_overlay_start_2:
0x5a: {  	(tag) =	ssettag $0x2  }
0x5b: {  	s0 =	rddreg [dreg:$0x0];
	s2 =	stileid.u32  }
0x5c: {  	s1 =	rddreg [dreg:$0x1];
	p0 =	sne.s32 s2, $0x0  }
0x5d: {  	s3 =	rddreg [dreg:$0x2];
	[bflag:$0x3] =	sbarrier.arrive $0xFFFF;
	s2 =	simm.s32 @!p0 $0x1C01  }
0x5e: {  	[timem:s3], [sflag:s2] =	dma.local @!p0 [hbm:s0], s1  }
0x5f: {  	s0 =	simm.s32 @!p0 $0x1  }
0x60: {  	_ =	swait.ge @!p0 [sflag:s0], s1  }
0x61: {  	s1 =	ssub.s32 @!p0 $0x0, s1;
	[sflag:s0] =	ssyncset.done @!p0 $0x0  }
0x62: {  	[sflag:s0] =	ssyncadd.s32 @!p0 s1  }
0x63: {  	[bflag:$0x3] =	sbarrier.arrive $0xFFFF  }
0x64: {  	_ =	shalt  }

</sc_bundles>
